<compile_context>
chip_gen: v7x
topology: tpu7x:2x2x1
jax: 0.10.2.dev20260603
libtpu: 0.0.44.dev20260713+nightly
codegen_flags: <defaults>
</compile_context>

<pallas_src>
import functools

import jax
import jax.numpy as jnp
from jax import lax
from jax.experimental import pallas as pl
from jax.experimental.pallas import tpu as pltpu
from jax.experimental.pallas import tpu_sc as plsc

N = 10000
NP = 10240
E = 160000
D = 256
HD = D // 2
NC = 2
NS = 16
EPT = E // NS
K = 128
NCHUNK = EPT // K
KT = EPT - NCHUNK * K
ROWS = NP // NS

_mesh = plsc.VectorSubcoreMesh(
    core_axis_name="c", subcore_axis_name="s", num_cores=NC, num_subcores=NS
)


@functools.partial(
    pl.kernel,
    out_type=jax.ShapeDtypeStruct((NC, NP, HD), jnp.float32),
    mesh=_mesh,
    scratch_types=[
        pltpu.VMEM((NCHUNK, K), jnp.int32),
        pltpu.VMEM((NCHUNK, K), jnp.int32),
        pltpu.VMEM((1, KT), jnp.int32),
        pltpu.VMEM((1, KT), jnp.int32),
        pltpu.VMEM((K, HD), jnp.float32),
        pltpu.VMEM_SHARED((NP, HD), jnp.float32),
        pltpu.SemaphoreType.DMA,
    ],
)
def _sc_segsum(
    feat_hbm, fr2_hbm, src_hbm, dst_hbm, srct_hbm, dstt_hbm, out_hbm,
    src_v, dst_v, srct_v, dstt_v, buf, acc, sem,
):
    c = lax.axis_index("c")
    s = lax.axis_index("s")
    base = s * ROWS
    @pl.when(s < NS - 1)
    def _():
        pltpu.sync_copy(
            feat_hbm.at[pl.ds(base, ROWS), pl.ds(c * HD, HD)],
            acc.at[pl.ds(base, ROWS)],
        )

    @pl.when(s == NS - 1)
    def _():
        last = (NS - 1) * ROWS
        pltpu.sync_copy(
            feat_hbm.at[pl.ds(last, N - last), pl.ds(c * HD, HD)],
            acc.at[pl.ds(last, N - last)],
        )

    pltpu.sync_copy(src_hbm.at[c, s], src_v)
    pltpu.sync_copy(dst_hbm.at[s], dst_v)
    pltpu.sync_copy(srct_hbm.at[c, s], srct_v)
    pltpu.sync_copy(dstt_hbm.at[s], dstt_v)
    plsc.subcore_barrier()

    def chunk(j, carry):
        pltpu.async_copy(fr2_hbm.at[src_v.at[j]], buf, sem).wait()
        pltpu.sync_copy(buf, acc.at[dst_v.at[j]], add=True)
        return carry

    lax.fori_loop(0, NCHUNK, chunk, 0)
    pltpu.async_copy(fr2_hbm.at[srct_v.at[0]], buf.at[pl.ds(0, KT)], sem).wait()
    pltpu.sync_copy(buf.at[pl.ds(0, KT)], acc.at[dstt_v.at[0]], add=True)
    plsc.subcore_barrier()
    pltpu.sync_copy(
        acc.at[pl.ds(base, ROWS)], out_hbm.at[c, pl.ds(base, ROWS)]
    )


BN = 5000


def _tc_mlp(h2_ref, wc_ref, bc_ref, wm_ref, bm_ref, out_ref):
    h = jnp.concatenate([h2_ref[0], h2_ref[1]], axis=-1)
    coff = jax.nn.sigmoid(
        jnp.dot(h, wc_ref[...], preferred_element_type=jnp.float32) + bc_ref[...]
    )
    msg = jnp.tanh(
        jnp.dot(h, wm_ref[...], preferred_element_type=jnp.float32) + bm_ref[...]
    )
    out_ref[...] = coff * msg


def kernel(feat, edge_index, W_coff, b_coff, W_msg, b_msg):
    src = edge_index[0]
    dst = edge_index[1]
    fr2 = feat.reshape(2 * N, HD)
    src_p = 2 * src.reshape(NS, EPT)
    dst_p = dst.reshape(NS, EPT)
    src_m = src_p[:, : NCHUNK * K].reshape(NS, NCHUNK, K)
    src_t = src_p[:, NCHUNK * K :].reshape(NS, 1, KT)
    src2 = jnp.stack([src_m, src_m + 1])
    src2t = jnp.stack([src_t, src_t + 1])
    dst_m = dst_p[:, : NCHUNK * K].reshape(NS, NCHUNK, K)
    dst_t = dst_p[:, NCHUNK * K :].reshape(NS, 1, KT)

    h2 = _sc_segsum(feat, fr2, src2, dst_m, src2t, dst_t)

    out = pl.pallas_call(
        _tc_mlp,
        grid=(N // BN,),
        in_specs=[
            pl.BlockSpec((NC, BN, HD), lambda i: (0, i, 0)),
            pl.BlockSpec((D, D), lambda i: (0, 0)),
            pl.BlockSpec((1, D), lambda i: (0, 0)),
            pl.BlockSpec((D, D), lambda i: (0, 0)),
            pl.BlockSpec((1, D), lambda i: (0, 0)),
        ],
        out_specs=pl.BlockSpec((BN, D), lambda i: (i, 0)),
        out_shape=jax.ShapeDtypeStruct((N, D), jnp.float32),
    )(h2, W_coff, b_coff.reshape(1, D), W_msg, b_msg.reshape(1, D))
    return out

# --- scband reference (transcript-rebuilt; emitter-appended) ---
"""Pipeline reference for scband-wave-gin-2027224564435 (READ-ONLY COPY).

The authoritative reference and input builder live on the scoring server;
editing this copy changes nothing except your own understanding.
"""

import jax, jax.numpy as jnp
import numpy as np

N = 10000
E = 160000
D = 256
EPS = 0.0  # init_eps=0, learn_eps=False -> constant buffer


def setup_inputs(seed: int = 0) -> dict:
    key = jax.random.key(seed)
    k1, k2, k3, k4, k5, k6 = jax.random.split(key, 6)
    feat = jax.random.normal(k1, (N, D), dtype=jnp.float32)
    edge_index = jax.random.randint(k2, (2, E), 0, N, dtype=jnp.int32)
    # learned parameters for w_coff and w_message (Linear: y = x @ W + b)
    W_coff = jax.random.normal(k3, (D, D), dtype=jnp.float32) * (1.0 / np.sqrt(D))
    b_coff = jax.random.normal(k4, (D,), dtype=jnp.float32) * 0.01
    W_msg = jax.random.normal(k5, (D, D), dtype=jnp.float32) * (1.0 / np.sqrt(D))
    b_msg = jax.random.normal(k6, (D,), dtype=jnp.float32) * 0.01
    return {"feat": feat, "edge_index": edge_index, "W_coff": W_coff, "b_coff": b_coff, "W_msg": W_msg, "b_msg": b_msg}


def reference(feat, edge_index, W_coff, b_coff, W_msg, b_msg):
    src = edge_index[0]
    dst = edge_index[1]
    # DGL: update_all(copy_u('h','m'), sum('m','neigh')) == scatter-add of src feats into dst
    neigh = jax.ops.segment_sum(feat[src], dst, num_segments=feat.shape[0])
    h = (1.0 + EPS) * feat + neigh
    coff = jax.nn.sigmoid(h @ W_coff + b_coff)
    message = jnp.tanh(h @ W_msg + b_msg)
    rst = coff * message
    return rst

if __name__ == "__main__":
    import jax
    _d = setup_inputs()
    print(jax.jit(kernel)(*tuple(_d.values())))

</pallas_src>

<mosaic_0001>
#map = affine_map<(d0, d1) -> (0, 0)>
#map1 = affine_map<(d0, d1) -> (0, 0, 0, 0)>
#map2 = affine_map<(d0, d1) -> (0, 0, 0)>
module attributes {stable_mosaic.version = 14 : i64} {
  func.func @_sc_segsum(%arg0: i32, %arg1: i32, %arg2: memref<10000x256xf32, #tpu.memory_space<hbm>>, %arg3: memref<20000x128xf32, #tpu.memory_space<hbm>>, %arg4: memref<2x16x78x128xi32, #tpu.memory_space<hbm>>, %arg5: memref<16x78x128xi32, #tpu.memory_space<hbm>>, %arg6: memref<2x16x1x16xi32, #tpu.memory_space<hbm>>, %arg7: memref<16x1x16xi32, #tpu.memory_space<hbm>>, %arg8: memref<2x10240x128xf32, #tpu.memory_space<hbm>>, %arg9: memref<78x128xi32, #tpu.memory_space<vmem>>, %arg10: memref<78x128xi32, #tpu.memory_space<vmem>>, %arg11: memref<1x16xi32, #tpu.memory_space<vmem>>, %arg12: memref<1x16xi32, #tpu.memory_space<vmem>>, %arg13: memref<128x128xf32, #tpu.memory_space<vmem>>, %arg14: memref<10240x128xf32, #tpu.memory_space<vmem_shared>>, %arg15: memref<!tpu.dma_semaphore, #tpu.memory_space<semaphore_mem>>) attributes {dimension_semantics = [#tpu.dimension_semantics<core_parallel>, #tpu.dimension_semantics<subcore_parallel>], iteration_bounds = array<i64: 2, 16>, scalar_prefetch = 0 : i64, scratch_operands = 7 : i64, tpu.core_type = #tpu.core_type<sc_vector_subcore>, window_params = [{transform_indices = #map}, {transform_indices = #map}, {transform_indices = #map1}, {transform_indices = #map2}, {transform_indices = #map1}, {transform_indices = #map2}, {transform_indices = #map2}]} {
    %mul3A = arith.constant 640 : i32
    %mul3A_0 = arith.muli %arg1, %mul3A : i32
    %lt3A = arith.constant 15 : i32
    %lt3A_1 = arith.cmpi slt, %arg1, %lt3A : i32
    %convert_element_type3A = arith.extui %lt3A_1 : i1 to i32
    %cond3A = arith.constant 0 : i32
    %cond3A_2 = arith.cmpi ne, %convert_element_type3A, %cond3A : i32
    scf.if %cond3A_2 {
      %mul3A_31 = arith.constant 128 : i32
      %mul3A_32 = arith.muli %arg0, %mul3A_31 : i32
      "tpu.region"() ({
        %run_scoped3A_33 = tpu.sem_alloc : memref<!tpu.dma_semaphore, #tpu.memory_space<semaphore_mem>>
        %dma_start3A_34 = arith.constant 0 : i32
        %dma_start3A_35 = tpu.memref_slice %arg14[%mul3A_0, %dma_start3A_34] : memref<10240x128xf32, #tpu.memory_space<vmem_shared>> -> memref<640x128xf32, #tpu.memory_space<vmem_shared>>
        %dma_start3A_36 = tpu.memref_slice %arg2[%mul3A_0, %mul3A_32] : memref<10000x256xf32, #tpu.memory_space<hbm>> -> memref<640x128xf32, #tpu.memory_space<hbm>>
        tpu.enqueue_dma source(%dma_start3A_36 : memref<640x128xf32, #tpu.memory_space<hbm>>) target(%dma_start3A_35 : memref<640x128xf32, #tpu.memory_space<vmem_shared>>) target_semaphore(%run_scoped3A_33 : memref<!tpu.dma_semaphore, #tpu.memory_space<semaphore_mem>>)
        %dma_wait3A_37 = arith.constant 0 : i32
        %dma_wait3A_38 = tpu.memref_slice %arg14[%mul3A_0, %dma_wait3A_37] : memref<10240x128xf32, #tpu.memory_space<vmem_shared>> -> memref<640x128xf32, #tpu.memory_space<vmem_shared>>
        %dma_wait3A_39 = tpu.memref_slice %arg2[%mul3A_0, %mul3A_32] : memref<10000x256xf32, #tpu.memory_space<hbm>> -> memref<640x128xf32, #tpu.memory_space<hbm>>
        tpu.wait_dma2 semaphore(%run_scoped3A_33 : memref<!tpu.dma_semaphore, #tpu.memory_space<semaphore_mem>>) src(%dma_wait3A_39 : memref<640x128xf32, #tpu.memory_space<hbm>>) dst(%dma_wait3A_38 : memref<640x128xf32, #tpu.memory_space<vmem_shared>>)
        tpu.yield
      }) : () -> ()
    } else {
    }
    %eq3A = arith.constant 15 : i32
    %eq3A_3 = arith.cmpi eq, %arg1, %eq3A : i32
    %convert_element_type3A_4 = arith.extui %eq3A_3 : i1 to i32
    %cond3A_5 = arith.constant 0 : i32
    %cond3A_6 = arith.cmpi ne, %convert_element_type3A_4, %cond3A_5 : i32
    scf.if %cond3A_6 {
      %mul3A_31 = arith.constant 128 : i32
      %mul3A_32 = arith.muli %arg0, %mul3A_31 : i32
      "tpu.region"() ({
        %run_scoped3A_33 = tpu.sem_alloc : memref<!tpu.dma_semaphore, #tpu.memory_space<semaphore_mem>>
        %dma_start3A_34 = arith.constant 9600 : i32
        %dma_start3A_35 = arith.constant 0 : i32
        %dma_start3A_36 = tpu.memref_slice %arg14[%dma_start3A_34, %dma_start3A_35] : memref<10240x128xf32, #tpu.memory_space<vmem_shared>> -> memref<400x128xf32, #tpu.memory_space<vmem_shared>>
        %dma_start3A_37 = arith.constant 9600 : i32
        %dma_start3A_38 = tpu.memref_slice %arg2[%dma_start3A_37, %mul3A_32] : memref<10000x256xf32, #tpu.memory_space<hbm>> -> memref<400x128xf32, #tpu.memory_space<hbm>>
        tpu.enqueue_dma source(%dma_start3A_38 : memref<400x128xf32, #tpu.memory_space<hbm>>) target(%dma_start3A_36 : memref<400x128xf32, #tpu.memory_space<vmem_shared>>) target_semaphore(%run_scoped3A_33 : memref<!tpu.dma_semaphore, #tpu.memory_space<semaphore_mem>>)
        %dma_wait3A_39 = arith.constant 9600 : i32
        %dma_wait3A_40 = arith.constant 0 : i32
        %dma_wait3A_41 = tpu.memref_slice %arg14[%dma_wait3A_39, %dma_wait3A_40] : memref<10240x128xf32, #tpu.memory_space<vmem_shared>> -> memref<400x128xf32, #tpu.memory_space<vmem_shared>>
        %dma_wait3A_42 = arith.constant 9600 : i32
        %dma_wait3A_43 = tpu.memref_slice %arg2[%dma_wait3A_42, %mul3A_32] : memref<10000x256xf32, #tpu.memory_space<hbm>> -> memref<400x128xf32, #tpu.memory_space<hbm>>
        tpu.wait_dma2 semaphore(%run_scoped3A_33 : memref<!tpu.dma_semaphore, #tpu.memory_space<semaphore_mem>>) src(%dma_wait3A_43 : memref<400x128xf32, #tpu.memory_space<hbm>>) dst(%dma_wait3A_41 : memref<400x128xf32, #tpu.memory_space<vmem_shared>>)
        tpu.yield
      }) : () -> ()
    } else {
    }
    "tpu.region"() ({
      %run_scoped3A_31 = tpu.sem_alloc : memref<!tpu.dma_semaphore, #tpu.memory_space<semaphore_mem>>
      %dma_start3A_32 = arith.constant 0 : i32
      %dma_start3A_33 = arith.constant 0 : i32
      %dma_start3A_34 = tpu.memref_slice %arg4[%arg0, %arg1, %dma_start3A_32, %dma_start3A_33] : memref<2x16x78x128xi32, #tpu.memory_space<hbm>> -> memref<1x1x78x128xi32, #tpu.memory_space<hbm>>
      %dma_start3A_35 = tpu.memref_squeeze %dma_start3A_34 : memref<1x1x78x128xi32, #tpu.memory_space<hbm>> -> memref<78x128xi32, #tpu.memory_space<hbm>>
      %dma_start3A_36 = arith.constant 0 : i32
      %dma_start3A_37 = arith.constant 0 : i32
      %dma_start3A_38 = tpu.memref_slice %arg4[%arg0, %arg1, %dma_start3A_36, %dma_start3A_37] : memref<2x16x78x128xi32, #tpu.memory_space<hbm>> -> memref<1x1x78x128xi32, #tpu.memory_space<hbm>>
      %dma_start3A_39 = tpu.memref_squeeze %dma_start3A_38 : memref<1x1x78x128xi32, #tpu.memory_space<hbm>> -> memref<78x128xi32, #tpu.memory_space<hbm>>
      tpu.enqueue_dma source(%dma_start3A_39 : memref<78x128xi32, #tpu.memory_space<hbm>>) target(%arg9 : memref<78x128xi32, #tpu.memory_space<vmem>>) target_semaphore(%run_scoped3A_31 : memref<!tpu.dma_semaphore, #tpu.memory_space<semaphore_mem>>)
      %dma_wait3A_40 = arith.constant 0 : i32
      %dma_wait3A_41 = arith.constant 0 : i32
      %dma_wait3A_42 = tpu.memref_slice %arg4[%arg0, %arg1, %dma_wait3A_40, %dma_wait3A_41] : memref<2x16x78x128xi32, #tpu.memory_space<hbm>> -> memref<1x1x78x128xi32, #tpu.memory_space<hbm>>
      %dma_wait3A_43 = tpu.memref_squeeze %dma_wait3A_42 : memref<1x1x78x128xi32, #tpu.memory_space<hbm>> -> memref<78x128xi32, #tpu.memory_space<hbm>>
      %dma_wait3A_44 = arith.constant 0 : i32
      %dma_wait3A_45 = arith.constant 0 : i32
      %dma_wait3A_46 = tpu.memref_slice %arg4[%arg0, %arg1, %dma_wait3A_44, %dma_wait3A_45] : memref<2x16x78x128xi32, #tpu.memory_space<hbm>> -> memref<1x1x78x128xi32, #tpu.memory_space<hbm>>
      %dma_wait3A_47 = tpu.memref_squeeze %dma_wait3A_46 : memref<1x1x78x128xi32, #tpu.memory_space<hbm>> -> memref<78x128xi32, #tpu.memory_space<hbm>>
      tpu.wait_dma2 semaphore(%run_scoped3A_31 : memref<!tpu.dma_semaphore, #tpu.memory_space<semaphore_mem>>) src(%dma_wait3A_47 : memref<78x128xi32, #tpu.memory_space<hbm>>) dst(%arg9 : memref<78x128xi32, #tpu.memory_space<vmem>>)
      tpu.yield
    }) : () -> ()
    "tpu.region"() ({
      %run_scoped3A_31 = tpu.sem_alloc : memref<!tpu.dma_semaphore, #tpu.memory_space<semaphore_mem>>
      %dma_start3A_32 = arith.constant 0 : i32
      %dma_start3A_33 = arith.constant 0 : i32
      %dma_start3A_34 = tpu.memref_slice %arg5[%arg1, %dma_start3A_32, %dma_start3A_33] : memref<16x78x128xi32, #tpu.memory_space<hbm>> -> memref<1x78x128xi32, #tpu.memory_space<hbm>>
      %dma_start3A_35 = tpu.memref_squeeze %dma_start3A_34 : memref<1x78x128xi32, #tpu.memory_space<hbm>> -> memref<78x128xi32, #tpu.memory_space<hbm>>
      %dma_start3A_36 = arith.constant 0 : i32
      %dma_start3A_37 = arith.constant 0 : i32
      %dma_start3A_38 = tpu.memref_slice %arg5[%arg1, %dma_start3A_36, %dma_start3A_37] : memref<16x78x128xi32, #tpu.memory_space<hbm>> -> memref<1x78x128xi32, #tpu.memory_space<hbm>>
      %dma_start3A_39 = tpu.memref_squeeze %dma_start3A_38 : memref<1x78x128xi32, #tpu.memory_space<hbm>> -> memref<78x128xi32, #tpu.memory_space<hbm>>
      tpu.enqueue_dma source(%dma_start3A_39 : memref<78x128xi32, #tpu.memory_space<hbm>>) target(%arg10 : memref<78x128xi32, #tpu.memory_space<vmem>>) target_semaphore(%run_scoped3A_31 : memref<!tpu.dma_semaphore, #tpu.memory_space<semaphore_mem>>)
      %dma_wait3A_40 = arith.constant 0 : i32
      %dma_wait3A_41 = arith.constant 0 : i32
      %dma_wait3A_42 = tpu.memref_slice %arg5[%arg1, %dma_wait3A_40, %dma_wait3A_41] : memref<16x78x128xi32, #tpu.memory_space<hbm>> -> memref<1x78x128xi32, #tpu.memory_space<hbm>>
      %dma_wait3A_43 = tpu.memref_squeeze %dma_wait3A_42 : memref<1x78x128xi32, #tpu.memory_space<hbm>> -> memref<78x128xi32, #tpu.memory_space<hbm>>
      %dma_wait3A_44 = arith.constant 0 : i32
      %dma_wait3A_45 = arith.constant 0 : i32
      %dma_wait3A_46 = tpu.memref_slice %arg5[%arg1, %dma_wait3A_44, %dma_wait3A_45] : memref<16x78x128xi32, #tpu.memory_space<hbm>> -> memref<1x78x128xi32, #tpu.memory_space<hbm>>
      %dma_wait3A_47 = tpu.memref_squeeze %dma_wait3A_46 : memref<1x78x128xi32, #tpu.memory_space<hbm>> -> memref<78x128xi32, #tpu.memory_space<hbm>>
      tpu.wait_dma2 semaphore(%run_scoped3A_31 : memref<!tpu.dma_semaphore, #tpu.memory_space<semaphore_mem>>) src(%dma_wait3A_47 : memref<78x128xi32, #tpu.memory_space<hbm>>) dst(%arg10 : memref<78x128xi32, #tpu.memory_space<vmem>>)
      tpu.yield
    }) : () -> ()
    "tpu.region"() ({
      %run_scoped3A_31 = tpu.sem_alloc : memref<!tpu.dma_semaphore, #tpu.memory_space<semaphore_mem>>
      %dma_start3A_32 = arith.constant 0 : i32
      %dma_start3A_33 = arith.constant 0 : i32
      %dma_start3A_34 = tpu.memref_slice %arg6[%arg0, %arg1, %dma_start3A_32, %dma_start3A_33] : memref<2x16x1x16xi32, #tpu.memory_space<hbm>> -> memref<1x1x1x16xi32, #tpu.memory_space<hbm>>
      %dma_start3A_35 = tpu.memref_squeeze %dma_start3A_34 : memref<1x1x1x16xi32, #tpu.memory_space<hbm>> -> memref<1x16xi32, #tpu.memory_space<hbm>>
      %dma_start3A_36 = arith.constant 0 : i32
      %dma_start3A_37 = arith.constant 0 : i32
      %dma_start3A_38 = tpu.memref_slice %arg6[%arg0, %arg1, %dma_start3A_36, %dma_start3A_37] : memref<2x16x1x16xi32, #tpu.memory_space<hbm>> -> memref<1x1x1x16xi32, #tpu.memory_space<hbm>>
      %dma_start3A_39 = tpu.memref_squeeze %dma_start3A_38 : memref<1x1x1x16xi32, #tpu.memory_space<hbm>> -> memref<1x16xi32, #tpu.memory_space<hbm>>
      tpu.enqueue_dma source(%dma_start3A_39 : memref<1x16xi32, #tpu.memory_space<hbm>>) target(%arg11 : memref<1x16xi32, #tpu.memory_space<vmem>>) target_semaphore(%run_scoped3A_31 : memref<!tpu.dma_semaphore, #tpu.memory_space<semaphore_mem>>)
      %dma_wait3A_40 = arith.constant 0 : i32
      %dma_wait3A_41 = arith.constant 0 : i32
      %dma_wait3A_42 = tpu.memref_slice %arg6[%arg0, %arg1, %dma_wait3A_40, %dma_wait3A_41] : memref<2x16x1x16xi32, #tpu.memory_space<hbm>> -> memref<1x1x1x16xi32, #tpu.memory_space<hbm>>
      %dma_wait3A_43 = tpu.memref_squeeze %dma_wait3A_42 : memref<1x1x1x16xi32, #tpu.memory_space<hbm>> -> memref<1x16xi32, #tpu.memory_space<hbm>>
      %dma_wait3A_44 = arith.constant 0 : i32
      %dma_wait3A_45 = arith.constant 0 : i32
      %dma_wait3A_46 = tpu.memref_slice %arg6[%arg0, %arg1, %dma_wait3A_44, %dma_wait3A_45] : memref<2x16x1x16xi32, #tpu.memory_space<hbm>> -> memref<1x1x1x16xi32, #tpu.memory_space<hbm>>
      %dma_wait3A_47 = tpu.memref_squeeze %dma_wait3A_46 : memref<1x1x1x16xi32, #tpu.memory_space<hbm>> -> memref<1x16xi32, #tpu.memory_space<hbm>>
      tpu.wait_dma2 semaphore(%run_scoped3A_31 : memref<!tpu.dma_semaphore, #tpu.memory_space<semaphore_mem>>) src(%dma_wait3A_47 : memref<1x16xi32, #tpu.memory_space<hbm>>) dst(%arg11 : memref<1x16xi32, #tpu.memory_space<vmem>>)
      tpu.yield
    }) : () -> ()
    "tpu.region"() ({
      %run_scoped3A_31 = tpu.sem_alloc : memref<!tpu.dma_semaphore, #tpu.memory_space<semaphore_mem>>
      %dma_start3A_32 = arith.constant 0 : i32
      %dma_start3A_33 = arith.constant 0 : i32
      %dma_start3A_34 = tpu.memref_slice %arg7[%arg1, %dma_start3A_32, %dma_start3A_33] : memref<16x1x16xi32, #tpu.memory_space<hbm>> -> memref<1x1x16xi32, #tpu.memory_space<hbm>>
      %dma_start3A_35 = tpu.memref_squeeze %dma_start3A_34 : memref<1x1x16xi32, #tpu.memory_space<hbm>> -> memref<1x16xi32, #tpu.memory_space<hbm>>
      %dma_start3A_36 = arith.constant 0 : i32
      %dma_start3A_37 = arith.constant 0 : i32
      %dma_start3A_38 = tpu.memref_slice %arg7[%arg1, %dma_start3A_36, %dma_start3A_37] : memref<16x1x16xi32, #tpu.memory_space<hbm>> -> memref<1x1x16xi32, #tpu.memory_space<hbm>>
      %dma_start3A_39 = tpu.memref_squeeze %dma_start3A_38 : memref<1x1x16xi32, #tpu.memory_space<hbm>> -> memref<1x16xi32, #tpu.memory_space<hbm>>
      tpu.enqueue_dma source(%dma_start3A_39 : memref<1x16xi32, #tpu.memory_space<hbm>>) target(%arg12 : memref<1x16xi32, #tpu.memory_space<vmem>>) target_semaphore(%run_scoped3A_31 : memref<!tpu.dma_semaphore, #tpu.memory_space<semaphore_mem>>)
      %dma_wait3A_40 = arith.constant 0 : i32
      %dma_wait3A_41 = arith.constant 0 : i32
      %dma_wait3A_42 = tpu.memref_slice %arg7[%arg1, %dma_wait3A_40, %dma_wait3A_41] : memref<16x1x16xi32, #tpu.memory_space<hbm>> -> memref<1x1x16xi32, #tpu.memory_space<hbm>>
      %dma_wait3A_43 = tpu.memref_squeeze %dma_wait3A_42 : memref<1x1x16xi32, #tpu.memory_space<hbm>> -> memref<1x16xi32, #tpu.memory_space<hbm>>
      %dma_wait3A_44 = arith.constant 0 : i32
      %dma_wait3A_45 = arith.constant 0 : i32
      %dma_wait3A_46 = tpu.memref_slice %arg7[%arg1, %dma_wait3A_44, %dma_wait3A_45] : memref<16x1x16xi32, #tpu.memory_space<hbm>> -> memref<1x1x16xi32, #tpu.memory_space<hbm>>
      %dma_wait3A_47 = tpu.memref_squeeze %dma_wait3A_46 : memref<1x1x16xi32, #tpu.memory_space<hbm>> -> memref<1x16xi32, #tpu.memory_space<hbm>>
      tpu.wait_dma2 semaphore(%run_scoped3A_31 : memref<!tpu.dma_semaphore, #tpu.memory_space<semaphore_mem>>) src(%dma_wait3A_47 : memref<1x16xi32, #tpu.memory_space<hbm>>) dst(%arg12 : memref<1x16xi32, #tpu.memory_space<vmem>>)
      tpu.yield
    }) : () -> ()
    %barrier3A = arith.constant 0 : index
    tpu.barrier barrier_id(%barrier3A)
    %scan3A = arith.constant 0 : i32
    %scan3A_7 = arith.constant 0 : i32
    %scan3A_8 = arith.constant 78 : i32
    %scan3A_9 = arith.addi %scan3A_7, %scan3A_8 : i32
    %scan3A_10 = arith.constant 1 : i32
    scf.for %scan3A_31 = %scan3A_7 to %scan3A_9 step %scan3A_10  : i32 {
      %dma_start3A_32 = arith.constant 0 : i32
      %dma_start3A_33 = tpu.memref_slice %arg9[%scan3A_31, %dma_start3A_32] : memref<78x128xi32, #tpu.memory_space<vmem>> -> memref<1x128xi32, #tpu.memory_space<vmem>>
      %dma_start3A_34 = tpu.memref_squeeze %dma_start3A_33 : memref<1x128xi32, #tpu.memory_space<vmem>> -> memref<128xi32, #tpu.memory_space<vmem>>
      %dma_start3A_35 = arith.constant 0 : i32
      %dma_start3A_36 = arith.constant 0 : i32
      %dma_start3A_37 = tpu.memref_slice %arg3[%dma_start3A_35, %dma_start3A_36] : memref<20000x128xf32, #tpu.memory_space<hbm>> -> memref<20000x128xf32, #tpu.memory_space<hbm>>
      tpu.enqueue_indirect_dma source(%dma_start3A_37 : memref<20000x128xf32, #tpu.memory_space<hbm>>) target(%arg13 : memref<128x128xf32, #tpu.memory_space<vmem>>) offsets(%dma_start3A_34 : memref<128xi32, #tpu.memory_space<vmem>>) semaphore(%arg15 : memref<!tpu.dma_semaphore, #tpu.memory_space<semaphore_mem>>)
      %dma_wait3A_38 = arith.constant 0 : i32
      %dma_wait3A_39 = tpu.memref_slice %arg9[%scan3A_31, %dma_wait3A_38] : memref<78x128xi32, #tpu.memory_space<vmem>> -> memref<1x128xi32, #tpu.memory_space<vmem>>
      %dma_wait3A_40 = tpu.memref_squeeze %dma_wait3A_39 : memref<1x128xi32, #tpu.memory_space<vmem>> -> memref<128xi32, #tpu.memory_space<vmem>>
      %dma_wait3A_41 = arith.constant 0 : i32
      %dma_wait3A_42 = arith.constant 0 : i32
      %dma_wait3A_43 = tpu.memref_slice %arg3[%dma_wait3A_41, %dma_wait3A_42] : memref<20000x128xf32, #tpu.memory_space<hbm>> -> memref<20000x128xf32, #tpu.memory_space<hbm>>
      tpu.wait_indirect_dma semaphore(%arg15 : memref<!tpu.dma_semaphore, #tpu.memory_space<semaphore_mem>>) src(%dma_wait3A_43 : memref<20000x128xf32, #tpu.memory_space<hbm>>) dst(%arg13 : memref<128x128xf32, #tpu.memory_space<vmem>>)
      "tpu.region"() ({
        %run_scoped3A_44 = tpu.sem_alloc : memref<!tpu.dma_semaphore, #tpu.memory_space<semaphore_mem>>
        %dma_start3A_45 = arith.constant 0 : i32
        %dma_start3A_46 = tpu.memref_slice %arg10[%scan3A_31, %dma_start3A_45] : memref<78x128xi32, #tpu.memory_space<vmem>> -> memref<1x128xi32, #tpu.memory_space<vmem>>
        %dma_start3A_47 = tpu.memref_squeeze %dma_start3A_46 : memref<1x128xi32, #tpu.memory_space<vmem>> -> memref<128xi32, #tpu.memory_space<vmem>>
        %dma_start3A_48 = arith.constant 0 : i32
        %dma_start3A_49 = arith.constant 0 : i32
        %dma_start3A_50 = tpu.memref_slice %arg14[%dma_start3A_48, %dma_start3A_49] : memref<10240x128xf32, #tpu.memory_space<vmem_shared>> -> memref<10240x128xf32, #tpu.memory_space<vmem_shared>>
        tpu.enqueue_indirect_dma source(%arg13 : memref<128x128xf32, #tpu.memory_space<vmem>>) target(%dma_start3A_50 : memref<10240x128xf32, #tpu.memory_space<vmem_shared>>) offsets(%dma_start3A_47 : memref<128xi32, #tpu.memory_space<vmem>>) semaphore(%run_scoped3A_44 : memref<!tpu.dma_semaphore, #tpu.memory_space<semaphore_mem>>) {add = true}
        %dma_wait3A_51 = arith.constant 0 : i32
        %dma_wait3A_52 = tpu.memref_slice %arg10[%scan3A_31, %dma_wait3A_51] : memref<78x128xi32, #tpu.memory_space<vmem>> -> memref<1x128xi32, #tpu.memory_space<vmem>>
        %dma_wait3A_53 = tpu.memref_squeeze %dma_wait3A_52 : memref<1x128xi32, #tpu.memory_space<vmem>> -> memref<128xi32, #tpu.memory_space<vmem>>
        %dma_wait3A_54 = arith.constant 0 : i32
        %dma_wait3A_55 = arith.constant 0 : i32
        %dma_wait3A_56 = tpu.memref_slice %arg14[%dma_wait3A_54, %dma_wait3A_55] : memref<10240x128xf32, #tpu.memory_space<vmem_shared>> -> memref<10240x128xf32, #tpu.memory_space<vmem_shared>>
        tpu.wait_indirect_dma semaphore(%run_scoped3A_44 : memref<!tpu.dma_semaphore, #tpu.memory_space<semaphore_mem>>) src(%arg13 : memref<128x128xf32, #tpu.memory_space<vmem>>) dst(%dma_wait3A_56 : memref<10240x128xf32, #tpu.memory_space<vmem_shared>>)
        tpu.yield
      }) : () -> ()
    }
    %scan3A_11 = arith.constant 78 : i32
    %dma_start3A = arith.constant 0 : i32
    %dma_start3A_12 = arith.constant 0 : i32
    %dma_start3A_13 = arith.constant 0 : i32
    %dma_start3A_14 = tpu.memref_slice %arg13[%dma_start3A_12, %dma_start3A_13] : memref<128x128xf32, #tpu.memory_space<vmem>> -> memref<16x128xf32, #tpu.memory_space<vmem>>
    %dma_start3A_15 = arith.constant 0 : i32
    %dma_start3A_16 = tpu.memref_slice %arg11[%dma_start3A, %dma_start3A_15] : memref<1x16xi32, #tpu.memory_space<vmem>> -> memref<1x16xi32, #tpu.memory_space<vmem>>
    %dma_start3A_17 = tpu.memref_squeeze %dma_start3A_16 : memref<1x16xi32, #tpu.memory_space<vmem>> -> memref<16xi32, #tpu.memory_space<vmem>>
    %dma_start3A_18 = arith.constant 0 : i32
    %dma_start3A_19 = arith.constant 0 : i32
    %dma_start3A_20 = tpu.memref_slice %arg3[%dma_start3A_18, %dma_start3A_19] : memref<20000x128xf32, #tpu.memory_space<hbm>> -> memref<20000x128xf32, #tpu.memory_space<hbm>>
    tpu.enqueue_indirect_dma source(%dma_start3A_20 : memref<20000x128xf32, #tpu.memory_space<hbm>>) target(%dma_start3A_14 : memref<16x128xf32, #tpu.memory_space<vmem>>) offsets(%dma_start3A_17 : memref<16xi32, #tpu.memory_space<vmem>>) semaphore(%arg15 : memref<!tpu.dma_semaphore, #tpu.memory_space<semaphore_mem>>)
    %dma_wait3A = arith.constant 0 : i32
    %dma_wait3A_21 = arith.constant 0 : i32
    %dma_wait3A_22 = arith.constant 0 : i32
    %dma_wait3A_23 = tpu.memref_slice %arg13[%dma_wait3A_21, %dma_wait3A_22] : memref<128x128xf32, #tpu.memory_space<vmem>> -> memref<16x128xf32, #tpu.memory_space<vmem>>
    %dma_wait3A_24 = arith.constant 0 : i32
    %dma_wait3A_25 = tpu.memref_slice %arg11[%dma_wait3A, %dma_wait3A_24] : memref<1x16xi32, #tpu.memory_space<vmem>> -> memref<1x16xi32, #tpu.memory_space<vmem>>
    %dma_wait3A_26 = tpu.memref_squeeze %dma_wait3A_25 : memref<1x16xi32, #tpu.memory_space<vmem>> -> memref<16xi32, #tpu.memory_space<vmem>>
    %dma_wait3A_27 = arith.constant 0 : i32
    %dma_wait3A_28 = arith.constant 0 : i32
    %dma_wait3A_29 = tpu.memref_slice %arg3[%dma_wait3A_27, %dma_wait3A_28] : memref<20000x128xf32, #tpu.memory_space<hbm>> -> memref<20000x128xf32, #tpu.memory_space<hbm>>
    tpu.wait_indirect_dma semaphore(%arg15 : memref<!tpu.dma_semaphore, #tpu.memory_space<semaphore_mem>>) src(%dma_wait3A_29 : memref<20000x128xf32, #tpu.memory_space<hbm>>) dst(%dma_wait3A_23 : memref<16x128xf32, #tpu.memory_space<vmem>>)
    %run_scoped3A = arith.constant 0 : i32
    "tpu.region"() ({
      %run_scoped3A_31 = tpu.sem_alloc : memref<!tpu.dma_semaphore, #tpu.memory_space<semaphore_mem>>
      %dma_start3A_32 = arith.constant 0 : i32
      %dma_start3A_33 = arith.constant 0 : i32
      %dma_start3A_34 = tpu.memref_slice %arg13[%dma_start3A_32, %dma_start3A_33] : memref<128x128xf32, #tpu.memory_space<vmem>> -> memref<16x128xf32, #tpu.memory_space<vmem>>
      %dma_start3A_35 = arith.constant 0 : i32
      %dma_start3A_36 = tpu.memref_slice %arg12[%run_scoped3A, %dma_start3A_35] : memref<1x16xi32, #tpu.memory_space<vmem>> -> memref<1x16xi32, #tpu.memory_space<vmem>>
      %dma_start3A_37 = tpu.memref_squeeze %dma_start3A_36 : memref<1x16xi32, #tpu.memory_space<vmem>> -> memref<16xi32, #tpu.memory_space<vmem>>
      %dma_start3A_38 = arith.constant 0 : i32
      %dma_start3A_39 = arith.constant 0 : i32
      %dma_start3A_40 = tpu.memref_slice %arg14[%dma_start3A_38, %dma_start3A_39] : memref<10240x128xf32, #tpu.memory_space<vmem_shared>> -> memref<10240x128xf32, #tpu.memory_space<vmem_shared>>
      tpu.enqueue_indirect_dma source(%dma_start3A_34 : memref<16x128xf32, #tpu.memory_space<vmem>>) target(%dma_start3A_40 : memref<10240x128xf32, #tpu.memory_space<vmem_shared>>) offsets(%dma_start3A_37 : memref<16xi32, #tpu.memory_space<vmem>>) semaphore(%run_scoped3A_31 : memref<!tpu.dma_semaphore, #tpu.memory_space<semaphore_mem>>) {add = true}
      %dma_wait3A_41 = arith.constant 0 : i32
      %dma_wait3A_42 = arith.constant 0 : i32
      %dma_wait3A_43 = tpu.memref_slice %arg13[%dma_wait3A_41, %dma_wait3A_42] : memref<128x128xf32, #tpu.memory_space<vmem>> -> memref<16x128xf32, #tpu.memory_space<vmem>>
      %dma_wait3A_44 = arith.constant 0 : i32
      %dma_wait3A_45 = tpu.memref_slice %arg12[%run_scoped3A, %dma_wait3A_44] : memref<1x16xi32, #tpu.memory_space<vmem>> -> memref<1x16xi32, #tpu.memory_space<vmem>>
      %dma_wait3A_46 = tpu.memref_squeeze %dma_wait3A_45 : memref<1x16xi32, #tpu.memory_space<vmem>> -> memref<16xi32, #tpu.memory_space<vmem>>
      %dma_wait3A_47 = arith.constant 0 : i32
      %dma_wait3A_48 = arith.constant 0 : i32
      %dma_wait3A_49 = tpu.memref_slice %arg14[%dma_wait3A_47, %dma_wait3A_48] : memref<10240x128xf32, #tpu.memory_space<vmem_shared>> -> memref<10240x128xf32, #tpu.memory_space<vmem_shared>>
      tpu.wait_indirect_dma semaphore(%run_scoped3A_31 : memref<!tpu.dma_semaphore, #tpu.memory_space<semaphore_mem>>) src(%dma_wait3A_43 : memref<16x128xf32, #tpu.memory_space<vmem>>) dst(%dma_wait3A_49 : memref<10240x128xf32, #tpu.memory_space<vmem_shared>>)
      tpu.yield
    }) : () -> ()
    %barrier3A_30 = arith.constant 0 : index
    tpu.barrier barrier_id(%barrier3A_30)
    "tpu.region"() ({
      %run_scoped3A_31 = tpu.sem_alloc : memref<!tpu.dma_semaphore, #tpu.memory_space<semaphore_mem>>
      %dma_start3A_32 = arith.constant 0 : i32
      %dma_start3A_33 = tpu.memref_slice %arg8[%arg0, %mul3A_0, %dma_start3A_32] : memref<2x10240x128xf32, #tpu.memory_space<hbm>> -> memref<1x640x128xf32, #tpu.memory_space<hbm>>
      %dma_start3A_34 = tpu.memref_squeeze %dma_start3A_33 : memref<1x640x128xf32, #tpu.memory_space<hbm>> -> memref<640x128xf32, #tpu.memory_space<hbm>>
      %dma_start3A_35 = arith.constant 0 : i32
      %dma_start3A_36 = tpu.memref_slice %arg14[%mul3A_0, %dma_start3A_35] : memref<10240x128xf32, #tpu.memory_space<vmem_shared>> -> memref<640x128xf32, #tpu.memory_space<vmem_shared>>
      tpu.enqueue_dma source(%dma_start3A_36 : memref<640x128xf32, #tpu.memory_space<vmem_shared>>) target(%dma_start3A_34 : memref<640x128xf32, #tpu.memory_space<hbm>>) target_semaphore(%run_scoped3A_31 : memref<!tpu.dma_semaphore, #tpu.memory_space<semaphore_mem>>)
      %dma_wait3A_37 = arith.constant 0 : i32
      %dma_wait3A_38 = tpu.memref_slice %arg8[%arg0, %mul3A_0, %dma_wait3A_37] : memref<2x10240x128xf32, #tpu.memory_space<hbm>> -> memref<1x640x128xf32, #tpu.memory_space<hbm>>
      %dma_wait3A_39 = tpu.memref_squeeze %dma_wait3A_38 : memref<1x640x128xf32, #tpu.memory_space<hbm>> -> memref<640x128xf32, #tpu.memory_space<hbm>>
      %dma_wait3A_40 = arith.constant 0 : i32
      %dma_wait3A_41 = tpu.memref_slice %arg14[%mul3A_0, %dma_wait3A_40] : memref<10240x128xf32, #tpu.memory_space<vmem_shared>> -> memref<640x128xf32, #tpu.memory_space<vmem_shared>>
      tpu.wait_dma2 semaphore(%run_scoped3A_31 : memref<!tpu.dma_semaphore, #tpu.memory_space<semaphore_mem>>) src(%dma_wait3A_41 : memref<640x128xf32, #tpu.memory_space<vmem_shared>>) dst(%dma_wait3A_39 : memref<640x128xf32, #tpu.memory_space<hbm>>)
      tpu.yield
    }) : () -> ()
    return
  }
}

module attributes {stable_mosaic.version = 14 : i64} {
  func.func @_tc_mlp(%arg0: i32, %arg1: memref<2x5000x128xf32, #tpu.memory_space<vmem>>, %arg2: memref<256x256xf32, #tpu.memory_space<vmem>>, %arg3: memref<1x256xf32, #tpu.memory_space<vmem>>, %arg4: memref<256x256xf32, #tpu.memory_space<vmem>>, %arg5: memref<1x256xf32, #tpu.memory_space<vmem>>, %arg6: memref<5000x256xf32, #tpu.memory_space<vmem>>) attributes {dimension_semantics = [#tpu.dimension_semantics<arbitrary>], iteration_bounds = array<i64: 2>, scalar_prefetch = 0 : i64, scratch_operands = 0 : i64, tpu.core_type = #tpu.core_type<tc>, window_params = [{transform_indices = @transform_0, window_bounds = array<i64: 2, 5000, 128>}, {pipeline_mode = #tpu.pipeline_mode<synchronous>, transform_indices = @transform_1, window_bounds = array<i64: 256, 256>}, {pipeline_mode = #tpu.pipeline_mode<synchronous>, transform_indices = @transform_2, window_bounds = array<i64: 1, 256>}, {pipeline_mode = #tpu.pipeline_mode<synchronous>, transform_indices = @transform_3, window_bounds = array<i64: 256, 256>}, {pipeline_mode = #tpu.pipeline_mode<synchronous>, transform_indices = @transform_4, window_bounds = array<i64: 1, 256>}, {transform_indices = @transform_5, window_bounds = array<i64: 5000, 256>}]} {
    %get3A = arith.constant 0 : index
    %get3A_0 = arith.constant 0 : index
    %get3A_1 = arith.constant 0 : index
    %get3A_2 = vector.load %arg1[%get3A, %get3A_0, %get3A_1] : memref<2x5000x128xf32, #tpu.memory_space<vmem>>, vector<1x5000x128xf32>
    %get3A_3 = vector.shape_cast %get3A_2 : vector<1x5000x128xf32> to vector<5000x128xf32>
    %get3A_4 = arith.constant 1 : index
    %get3A_5 = arith.constant 0 : index
    %get3A_6 = arith.constant 0 : index
    %get3A_7 = vector.load %arg1[%get3A_4, %get3A_5, %get3A_6] : memref<2x5000x128xf32, #tpu.memory_space<vmem>>, vector<1x5000x128xf32>
    %get3A_8 = vector.shape_cast %get3A_7 : vector<1x5000x128xf32> to vector<5000x128xf32>
    %concatenate3A = tpu.concatenate %get3A_3, %get3A_8 in 1 : vector<5000x128xf32>, vector<5000x128xf32> -> vector<5000x256xf32>
    %get3A_9 = arith.constant 0 : index
    %get3A_10 = arith.constant 0 : index
    %get3A_11 = vector.load %arg2[%get3A_9, %get3A_10] : memref<256x256xf32, #tpu.memory_space<vmem>>, vector<256x256xf32>
    %dot_general3A = arith.constant dense<0.000000e+00> : vector<5000x256xf32>
    %dot_general3A_12 = tpu.matmul %concatenate3A, %get3A_11, %dot_general3A {dimension_numbers = #tpu.dot_dimension_numbers<[1], [0], [0], [1], [0, 0, 1, 1], [], []>, transpose_lhs_hint = false} : vector<5000x256xf32>, vector<256x256xf32>, vector<5000x256xf32> -> vector<5000x256xf32>
    %get3A_13 = arith.constant 0 : index
    %get3A_14 = arith.constant 0 : index
    %get3A_15 = vector.load %arg3[%get3A_13, %get3A_14] : memref<1x256xf32, #tpu.memory_space<vmem>>, vector<1x256xf32>
    %add3A = vector.broadcast %get3A_15 : vector<1x256xf32> to vector<5000x256xf32>
    %add3A_16 = arith.addf %dot_general3A_12, %add3A : vector<5000x256xf32>
    %logistic3A = arith.negf %add3A_16 : vector<5000x256xf32>
    %logistic3A_17 = math.exp %logistic3A : vector<5000x256xf32>
    %logistic3A_18 = arith.constant 1.000000e+00 : f32
    %logistic3A_19 = vector.broadcast %logistic3A_18 : f32 to vector<5000x256xf32>
    %logistic3A_20 = arith.addf %logistic3A_19, %logistic3A_17 : vector<5000x256xf32>
    %logistic3A_21 = arith.divf %logistic3A_19, %logistic3A_20 : vector<5000x256xf32>
    %get3A_22 = arith.constant 0 : index
    %get3A_23 = arith.constant 0 : index
    %get3A_24 = vector.load %arg4[%get3A_22, %get3A_23] : memref<256x256xf32, #tpu.memory_space<vmem>>, vector<256x256xf32>
    %dot_general3A_25 = arith.constant dense<0.000000e+00> : vector<5000x256xf32>
    %dot_general3A_26 = tpu.matmul %concatenate3A, %get3A_24, %dot_general3A_25 {dimension_numbers = #tpu.dot_dimension_numbers<[1], [0], [0], [1], [0, 0, 1, 1], [], []>, transpose_lhs_hint = false} : vector<5000x256xf32>, vector<256x256xf32>, vector<5000x256xf32> -> vector<5000x256xf32>
    %get3A_27 = arith.constant 0 : index
    %get3A_28 = arith.constant 0 : index
    %get3A_29 = vector.load %arg5[%get3A_27, %get3A_28] : memref<1x256xf32, #tpu.memory_space<vmem>>, vector<1x256xf32>
    %add3A_30 = vector.broadcast %get3A_29 : vector<1x256xf32> to vector<5000x256xf32>
    %add3A_31 = arith.addf %dot_general3A_26, %add3A_30 : vector<5000x256xf32>
    %tanh3A = math.tanh %add3A_31 : vector<5000x256xf32>
    %mul3A = arith.mulf %logistic3A_21, %tanh3A : vector<5000x256xf32>
    %swap3A = arith.constant 0 : index
    %swap3A_32 = arith.constant 0 : index
    %swap3A_33 = vector.load %arg6[%swap3A, %swap3A_32] : memref<5000x256xf32, #tpu.memory_space<vmem>>, vector<5000x256xf32>
    tpu.vector_store %arg6[%swap3A, %swap3A_32], %mul3A {strides = array<i32>} : memref<5000x256xf32, #tpu.memory_space<vmem>>, vector<5000x256xf32>,
    return
  }
  func.func @transform_0(%arg0: i32) -> (i32, i32, i32) {
    %c0_i32 = arith.constant 0 : i32
    %c0_i32_0 = arith.constant 0 : i32
    %c0_i32_1 = arith.constant 0 : i32
    return %c0_i32, %arg0, %c0_i32_0 : i32, i32, i32
  }
  func.func @transform_1(%arg0: i32) -> (i32, i32) {
    %c0_i32 = arith.constant 0 : i32
    %c0_i32_0 = arith.constant 0 : i32
    %c0_i32_1 = arith.constant 0 : i32
    return %c0_i32, %c0_i32_0 : i32, i32
  }
  func.func @transform_2(%arg0: i32) -> (i32, i32) {
    %c0_i32 = arith.constant 0 : i32
    %c0_i32_0 = arith.constant 0 : i32
    %c0_i32_1 = arith.constant 0 : i32
    return %c0_i32, %c0_i32_0 : i32, i32
  }
  func.func @transform_3(%arg0: i32) -> (i32, i32) {
    %c0_i32 = arith.constant 0 : i32
    %c0_i32_0 = arith.constant 0 : i32
    %c0_i32_1 = arith.constant 0 : i32
    return %c0_i32, %c0_i32_0 : i32, i32
  }
  func.func @transform_4(%arg0: i32) -> (i32, i32) {
    %c0_i32 = arith.constant 0 : i32
    %c0_i32_0 = arith.constant 0 : i32
    %c0_i32_1 = arith.constant 0 : i32
    return %c0_i32, %c0_i32_0 : i32, i32
  }
  func.func @transform_5(%arg0: i32) -> (i32, i32) {
    %c0_i32 = arith.constant 0 : i32
    %c0_i32_0 = arith.constant 0 : i32
    return %arg0, %c0_i32 : i32, i32
  }
}

</mosaic_0001>

<sc_bundles>
// kernel: kernel.4.cloned.1.call-start
scs
__scs_entry_jumppad:
0x0: {  	(pc) =	sbr.rel $0x88, $3  }
0x1: {  	(tag) =	ssettag $0x0;
	lr =	simm.s32 $0x1  }
0x2: {  	[smem:$0x3F9B] =	sst lr;
	_ =	strace $0xD0000000  }
0x3: {  	_ = 	snop  }
0x4: {  	_ = 	snop  }
0x5: {  	_ = 	snop  }
0x6: {  	_ = 	snop  }
0x7: {  	_ = 	snop  }
__scs_overlays_trampoline_lowered:
0x8: {  	[smem:$0x3FAA] =	sst s0  }
0x9: {  	[smem:$0x3FAB] =	sst s1  }
0xa: {  	[smem:$0x3FAC] =	sst s2  }
0xb: {  	[smem:$0x3FAD] =	sst s3  }
0xc: {  	[smem:$0x3FAE] =	sst s4  }
0xd: {  	[smem:$0x3FAF] =	sst s5  }
0xe: {  	[smem:$0x3FB0] =	sst s6  }
0xf: {  	[smem:$0x3FB1] =	sst s7  }
0x10: {  	[smem:$0x3FB2] =	sst s8  }
0x11: {  	[smem:$0x3FB3] =	sst s9;
	s0 =	simm.s32 @!p0 $0x0  }
0x12: {  	s1 =	sld [smem:$0x3F99];
	s0 =	simm.s32 @p0 $0x1  }
0x13: {  	[smem:$0x3FB4] =	sst s0;
	s0 =	simm.s32 @!p1 $0x0  }
0x14: {  	s2 =	sld [smem:$0x3F98];
	s0 =	simm.s32 @p1 $0x1  }
0x15: {  	[smem:$0x3FB5] =	sst s0;
	s0 =	simm.s32 @!p2 $0x0  }
0x16: {  	s3 =	sld [smem:$0x3FDB];
	s0 =	simm.s32 @p2 $0x1  }
0x17: {  	s4 =	simm.s32 $0x1BF5;
	[smem:$0x3FB7] =	sst s0  }
0x18: {  	s0 =	sld [smem:$0x3F9A];
	_ =	swait.ge [sflag:s4], $0x0  }
0x19: {  	s7 =	sld [smem:$0x3F9B]  }
0x1a: {  	s8 =	sadd.s32 $0xFFFFE003, lr  }
0x1b: {  	s9 =	sadd.s32 $0xFFFFFEF7, lr;
	s5 =	simm.s32 $0xFFFFFFFF;
	p2 =	slt.u32 s8, $0xFFFFF086  }
0x1c: {  	p1 =	slt.u32 s9, $0xF7A;
	s5 =	simm.s32 @!p2 $0x0  }
0x1d: {  	s5 =	simm.s32 @p1 $0x1;
	p0 =	seq.s32 s7, s2  }
0x1e: {  	s7 =	smul.u32 @!p0 $0xF7A, s2;
	p2 =	seq.s32 @!p0 s5, $0x0  }
0x1f: {  	s9 =	smul.u32 $0xF7A, s1;
	s8 =	simm.s32 @!p0 $0x1BF5;
	p2 =	por !p2, p0  }
0x20: {  	[sflag:s8] =	ssyncset.s32 @!p0 $0xFFFFF086;
	s6 =	sadd.s32 @!p0 s3, s7;
	s7 =	simm.s32 @!p0 $0x108  }
0x21: {  	s3 =	sadd.s32 s3, s9;
	s6 =	sadd.s32 @!p0 $0x88, s6;
	s7 =	simm.s32 @p2 $0x1082  }
0x22: {  	[simem:s7], [sflag:s8] =	dma.local @!p0 [hbm:s6], $0xF7A  }
0x23: {  	s9 =	sor.u32 $0xD0000000, s2;
	s6 =	simm.s32 $0x108;
	_ =	swait.ge @!p0 [sflag:s8], $0x0  }
0x24: {  	s3 =	sadd.s32 $0x88, s3;
	s6 =	simm.s32 @!p1 $0x1082;
	[sflag:s4] =	ssyncset.s32 $0xFFFFF086  }
0x25: {  	[simem:s6], [sflag:s4] =	dma.local [hbm:s3], $0xF7A  }
0x26: {  	[smem:$0x3F9B] =	sst s1;
	(tag) =	ssettag s2;
	_ =	strace s9  }
0x27: {  	s1 =	sld [smem:$0x3FAB]  }
0x28: {  	s2 =	sld [smem:$0x3FAC]  }
0x29: {  	s4 =	sld [smem:$0x3FAE]  }
0x2a: {  	p0 =	seq.s32 s5, $0x0;
	s5 =	sld [smem:$0x3FAF]  }
0x2b: {  	s6 =	sld [smem:$0x3FB0]  }
0x2c: {  	s7 =	sld [smem:$0x3FB1]  }
0x2d: {  	s3 =	simm.s32 $0x108;
	s8 =	sld [smem:$0x3FB2]  }
0x2e: {  	s3 =	simm.s32 @!p0 $0x1082;
	s9 =	sld [smem:$0x3FB3]  }
0x2f: {  	lr =	sadd.s32 s0, s3;
	s0 =	sld [smem:$0x3FAA]  }
0x30: {  	s3 =	sld [smem:$0x3FAD]  }
0x31: {  	[smem:$0x3FB6] =	sst s10  }
0x32: {  	s10 =	sld [smem:$0x3FB4];
	_ =	sdelay $0x3  }
0x33: {  	p0 =	seq.s32 s10, $0x1;
	s10 =	sld [smem:$0x3FB6];
	_ =	sdelay $0x3  }
0x34: {  	[smem:$0x3FB6] =	sst s10  }
0x35: {  	s10 =	sld [smem:$0x3FB5];
	_ =	sdelay $0x3  }
0x36: {  	p1 =	seq.s32 s10, $0x1;
	s10 =	sld [smem:$0x3FB6];
	_ =	sdelay $0x3  }
0x37: {  	[smem:$0x3FB6] =	sst s10  }
0x38: {  	s10 =	sld [smem:$0x3FB7]  }
0x39: {  	_ = 	snop;
	(pc) =	sbr.ind lr, $3  }
0x3a: {  	_ = 	snop  }
0x3b: {  	_ = 	snop  }
0x3c: {  	p2 =	seq.s32 s10, $0x1;
	s10 =	sld [smem:$0x3FB6]  }
0x3d: {  	_ =	shalt  }
0x3e: {  	_ =	shalt  }
0x3f: {  	_ =	shalt  }
0x40: {  	_ =	shalt  }
0x41: {  	_ =	shalt  }
0x42: {  	_ =	shalt  }
0x43: {  	_ =	shalt  }
0x44: {  	_ =	shalt  }
0x45: {  	_ =	shalt  }
0x46: {  	_ =	shalt  }
0x47: {  	_ =	shalt  }
0x48: {  	_ =	shalt  }
0x49: {  	_ =	shalt  }
0x4a: {  	_ =	shalt  }
0x4b: {  	_ =	shalt  }
0x4c: {  	_ =	shalt  }
0x4d: {  	_ =	shalt  }
0x4e: {  	_ =	shalt  }
0x4f: {  	_ =	shalt  }
0x50: {  	_ =	shalt  }
0x51: {  	_ =	shalt  }
0x52: {  	_ =	shalt  }
0x53: {  	_ =	shalt  }
0x54: {  	_ =	shalt  }
0x55: {  	_ =	shalt  }
0x56: {  	_ =	shalt  }
0x57: {  	_ =	shalt  }
0x58: {  	_ =	shalt  }
0x59: {  	_ =	shalt  }
0x5a: {  	_ =	shalt  }
0x5b: {  	_ =	shalt  }
0x5c: {  	_ =	shalt  }
0x5d: {  	_ =	shalt  }
0x5e: {  	_ =	shalt  }
0x5f: {  	_ =	shalt  }
0x60: {  	_ =	shalt  }
0x61: {  	_ =	shalt  }
0x62: {  	_ =	shalt  }
0x63: {  	_ =	shalt  }
0x64: {  	_ =	shalt  }
0x65: {  	_ =	shalt  }
0x66: {  	_ =	shalt  }
0x67: {  	_ =	shalt  }
0x68: {  	_ =	shalt  }
0x69: {  	_ =	shalt  }
0x6a: {  	_ =	shalt  }
0x6b: {  	_ =	shalt  }
0x6c: {  	_ =	shalt  }
0x6d: {  	_ =	shalt  }
0x6e: {  	_ =	shalt  }
0x6f: {  	_ =	shalt  }
0x70: {  	_ =	shalt  }
0x71: {  	_ =	shalt  }
0x72: {  	_ =	shalt  }
0x73: {  	_ =	shalt  }
0x74: {  	_ =	shalt  }
0x75: {  	_ =	shalt  }
0x76: {  	_ =	shalt  }
0x77: {  	_ =	shalt  }
0x78: {  	_ =	shalt  }
0x79: {  	_ =	shalt  }
0x7a: {  	_ =	shalt  }
0x7b: {  	_ =	shalt  }
0x7c: {  	_ =	shalt  }
0x7d: {  	_ =	shalt  }
0x7e: {  	_ =	shalt  }
0x7f: {  	_ =	shalt  }
0x80: {  	_ =	shalt  }
0x81: {  	_ =	shalt  }
0x82: {  	_ =	shalt  }
0x83: {  	_ =	shalt  }
0x84: {  	_ =	shalt  }
0x85: {  	_ =	shalt  }
0x86: {  	_ =	shalt  }
0x87: {  	_ =	shalt  }
.Lfunc_end0:
.L_simem_size_0:
called_computation_lowered:
.L_overlay_start_0:
0x88: {  	s2 =	sld [smem:$0x3FD9]  }
0x89: {  	s3 =	sld [smem:$0x3FFE];
	_ =	sdelay $0x1  }
0x8a: {  	s1 =	srdreg.scid  }
0x8b: {  	s0 =	sand.u32 $0x1, s1  }
0x8c: {  	s17 =	sshll.u32 s0, $0xA;
	s2 =	sadd.s32 s3, s2  }
0x8d: {  	s2 =	sadd.s32 s2, s17  }
0x8e: {  	[smem:$0x3FC2] =	sst s2  }
0x8f: {  	_ = 	snop  }
0x90: {  	s2 =	sld [smem:$0x3FC9]  }
0x91: {  	s18 =	sld [smem:$0x3FD0];
	(tm) =	ssettm $0x1  }
0x92: {  	s4 =	sld [smem:$0x3FFB];
	_ =	sdelay $0x3  }
0x93: {  	_ =	strace s4  }
0x94: {  	s4 =	sld [smem:$0x3FFC];
	_ =	sdelay $0x3  }
0x95: {  	_ =	strace s4  }
0x96: {  	s4 =	sld [smem:$0x3FFD];
	_ =	sdelay $0x3  }
0x97: {  	_ =	strace s4  }
0x98: {  	_ =	strace $0x8FFFFFFF  }
0x99: {  	s19 =	sld [smem:$0x3FDB];
	_ =	sdelay $0x1  }
0x9a: {  	s5 =	simm.s32 $_scs_section_size  }
0x9b: {  	s6 =	simm.s32 $_size__tile_overlayer_lowered;
	s7 =	simm.s32 $_tile_overlayer_lowered  }
0x9c: {  	s22 =	simm.s32 $0x1BFF;
	s21 =	sshll.u32 s7, $0x1;
	s4 =	sadd.s32 s5, s19  }
0x9d: {  	s8 =	simm.s32 $0x0;
	s20 =	sshll.u32 s6, $0x1;
	s6 =	sadd.s32 s21, s4  }
0x9e: {  	[timem:s8], [sflag:s22] =	dma.local [hbm:s6], s20  }
0x9f: {  	_ =	swait.ge [sflag:s22], s20  }
0xa0: {  	s5 =	ssub.s32 $0x0, s20;
	[sflag:s22] =	ssyncset.done $0x0  }
0xa1: {  	[sflag:s22] =	ssyncadd.s32 s5;
	_ =	sdelay $0x1  }
0xa2: {  	s23 =	simm.s32 $0x1B8B  }
0xa3: {  	_ =	swait.ge [sflag:s23], $0x1  }
0xa4: {  	[sflag:s23] =	ssyncset.done $0x0  }
0xa5: {  	s25 =	simm.s32 $0x1B8E;
	s24 =	sld [smem:$0x3FFE];
	[sflag:s23] =	ssyncadd.s32 $0xFFFFFFFF  }
0xa6: {  	s26 =	simm.s32 $execute0_lowered;
	[smem:$0x3FD2] =	sst s25  }
0xa7: {  	s6 =	sshll.u32 s26, $0x1;
	_ =	strace $0x80000046;
	[dreg:$0x1] =	wrdreg $0xFFFFFFFF  }
0xa8: {  	s28 =	simm.s32 $_size_execute0_lowered;
	s4 =	sadd.s32 s4, s6;
	[dreg:$0x0] =	wrdreg $0x0  }
0xa9: {  	s6 =	sshll.u32 s28, $0x1;
	[dreg:$0x2] =	wrdreg s4  }
0xaa: {  	[dreg:$0x3] =	wrdreg s6  }
0xab: {  	[dreg:$0x4] =	wrdreg $0xC0  }
0xac: {  	_ =	task [dreg:s8], $0x5FFFF  }
0xad: {  	[dreg:$0x1] =	wrdreg $0xFFFFFFFF  }
0xae: {  	[dreg:$0x0] =	wrdreg $0x60  }
0xaf: {  	[dreg:$0x2] =	wrdreg s2  }
0xb0: {  	[dreg:$0x3] =	wrdreg s18  }
0xb1: {  	[dreg:$0x4] =	wrdreg s24  }
0xb2: {  	[dreg:$0x5] =	wrdreg $0x91000  }
0xb3: {  	[dreg:$0x6] =	wrdreg $0x9  }
0xb4: {  	_ =	task.clear_ibuf [dreg:s8], $0x7FFFF;
	_ =	strace $0x90000046  }
0xb5: {  	s29 =	simm.s32 $0x9;
	_ =	strace $0x80000048  }
0xb6: {  	_ =	swait.ge [sflag:s29], $0x1  }
0xb7: {  	[sflag:s29] =	ssyncadd.s32 $0xFFFFFFFF  }
0xb8: {  	_ =	strace $0x90000048  }
0xb9: {  	_ =	sfence  }
0xba: {  	s30 =	sld [smem:$0x0];
	_ =	sdelay $0x2  }
0xbb: {  	s31 =	sshll.u32 s1, $0xD;
	s1 =	sshrl.u32 s1, $0x2  }
0xbc: {  	s3 =	sand.u32 $0x4000, s31;
	s1 =	sadd.s32 s1, s30  }
0xbd: {  	s0 =	sor.u32 s3, s0;
	s1 =	sshll.u32 s1, $0x11  }
0xbe: {  	s0 =	sor.u32 s1, s0  }
0xbf: {  	s0 =	sadd.s32 $0x8F2B, s0  }
0xc0: {  	[sflag:s0] =	ssyncadd.remote.s32 $0x1  }
0xc1: {  	_ =	sfence.sel $0xFFFF  }
0xc2: {  	[dreg:$0x0] =	wrdreg $0xFFFFFFFF;
	(pc) =	sbr.abs _section_cstart, $3  }
0xc3: {  	[dreg:$0x1] =	wrdreg $0xFFFFFFFF  }
0xc4: {  	_ =	task.clear_ibuf [dreg:s8], $0x2FFFF;
	_ =	strace $0x9FFFFFFF  }
0xc5: {  	(tm) =	ssettm $0x7FFFFFFF  }
tec
execute0_lowered:
.L_overlay_start_1:
0x0: {  	(tag) =	ssettag $0x1  }
0x1: {  	s7 =	rddreg [dreg:$0x0]  }
0x2: {  	s1 =	rddreg [dreg:$0x1];
	s2 =	srdreg.scid  }
0x3: {  	s0 =	stileid.u32;
	s5 =	rddreg [dreg:$0x2]  }
0x4: {  	s3 =	rddreg [dreg:$0x3];
	s4 =	simm.s32 $0x0;
	s6 =	smul.u32 $0x2800, s0  }
0x5: {  	s18 =	simm.s32 $0x2800;
	s19 =	simm.s32 $0x5000;
	s11 =	smul.u32 $0x14000, s0  }
0x6: {  	s20 =	simm.s32 $0x5080;
	s21 =	simm.s32 $0x80;
	s25 =	smul.u32 $0x28000, s0  }
0x7: {  	s8 =	sand.u32 $0x1, s2;
	s2 =	rddreg [dreg:$0x4];
	s16 =	smul.u32 $0x50000, s0  }
0x8: {  	s22 =	simm.s32 $0x5100;
	[smem:$0x7FF] =	sst s4;
	s9 =	smul.u32 $0x28000, s8  }
0x9: {  	s12 =	sshll.u32 s0, $0x4;
	p0 =	seq.s32 s0, $0xF;
	s10 =	smul.u32 $0x140000, s8  }
0xa: {  	_ =	strace $0x80000047;
	s12 =	sadd.s32 s12, s5;
	s24 =	ssub.s32 $0x2, s8  }
0xb: {  	s15 =	sshll.u32 s8, $0xA;
	s30 =	sshll.u32 s8, $0x7;
	s31 =	sshll.u32 s8, $0x8  }
0xc: {  	s14 =	sshrl.u32 s24, $0x1;
	s26 =	sor.u32 s15, s25;
	s28 =	sshrl.u32 s16, $0x2  }
0xd: {  	s15 =	sadd.s32 $0x12C000, s3;
	s16 =	sshll.u32 @!p0 s0, $0x6;
	s25 =	simm.s32 $0x0  }
0xe: {  	s9 =	sadd.s32 s6, s9;
	s6 =	sshrl.u32 s6, $0x3;
	s23 =	sadd.s32 s11, s10  }
0xf: {  	s14 =	ssub.s32 s24, s14;
	s29 =	sshrl.u32 s26, $0x3;
	s10 =	sadd.s32 s31, s12  }
0x10: {  	s11 =	sadd.s32 $0xA00, s12;
	s24 =	simm.s32 $0x10;
	s9 =	sshrl.u32 s9, $0x3  }
0x11: {  	s13 =	sadd.s32 s6, s5;
	s6 =	sshrl.u32 s23, $0x3;
	s10 =	sadd.s32 $0xFC00, s10  }
0x12: {  	s23 =	simm.s32 $0x1;
	s9 =	sadd.s32 s9, s5;
	s17 =	sadd.s32 s6, s5  }
0x13: {  	s5 =	sadd.s32 s28, s3;
	s6 =	sadd.s32 s7, s29;
	s7 =	sadd.s32 s30, s7  }
0x14: {  	s7 =	sadd.s32 $0x4B000, s7;
	s8 =	sadd.s32 $0x5C00, s9;
	s9 =	sadd.s32 $0xC00, s13  }
0x15: {  	s12 =	sadd.s32 $0xFE00, s17;
	s13 =	smax.u32 s14, $0x1;
	s14 =	sshrl.u32 @p0 s15, $0x3  }
0x16: {  	s15 =	sor.u32 @!p0 $0x1C02, s16;
	s16 =	sshrl.u32 @!p0 s5, $0x3;
	s17 =	simm.s32 $0x2  }
.LBB2_1:
0x17: {  	s26 =	simm.s32 @p0 $0x8  }
0x18: {  	s28 =	simm.s32 @p0 $0x80;
	s29 =	simm.s32 @p0 $0x100;
	s30 =	simm.s32 @p0 $0x1FC2  }
0x19: {  	[spmem:s14@s28], [sflag:s30] =	dma.strided @p0 [hbm:s7@s29], $0x1900, s26, $0x10   }
0x1a: {  	s26 =	simm.s32 @p0 $0x2  }
0x1b: {  	_ =	swait.ge @p0 [sflag:s26], $0x1900  }
0x1c: {  	s28 =	simm.s32 @!p0 $0x80;
	[sflag:s26] =	ssyncset.done @p0 $0x0  }
0x1d: {  	s29 =	simm.s32 @!p0 $0x100;
	[sflag:s26] =	ssyncadd.s32 @p0 $0xFFFFE700;
	s26 =	simm.s32 @!p0 $0x8  }
0x1e: {  	[spmem:s16@s28], [sflag:s15] =	dma.strided @!p0 [hbm:s6@s29], $0x2800, s26, $0x10   }
0x1f: {  	s26 =	simm.s32 @!p0 $0x2  }
0x20: {  	_ =	swait.ge @!p0 [sflag:s26], $0x2800  }
0x21: {  	[sflag:s26] =	ssyncset.done @!p0 $0x0  }
0x22: {  	[sflag:s26] =	ssyncadd.s32 @!p0 $0xFFFFD800  }
0x23: {  	[tilespmem:s4], [sflag:$0x2] =	stream.linear.gather [hbm4b:s8+s4], $0x2700, $0x38;
	[tilespmem:$0x1D100] =	vst v63  }
0x24: {  	_ =	swait.ge [sflag:s17], $0x2700  }
0x25: {  	[sflag:s17] =	ssyncset.done $0x0  }
0x26: {  	[sflag:s17] =	ssyncadd.s32 $0xFFFFD900  }
0x27: {  	[tilespmem:s18], [sflag:$0x2] =	stream.linear.gather [hbm4b:s9+s4], $0x2700, $0x38;
	[tilespmem:$0x1D100] =	vst v63  }
0x28: {  	_ =	swait.ge [sflag:s17], $0x2700  }
0x29: {  	[sflag:s17] =	ssyncset.done $0x0  }
0x2a: {  	[sflag:s17] =	ssyncadd.s32 $0xFFFFD900  }
0x2b: {  	[tilespmem:s19], [sflag:$0x2] =	stream.linear.gather [hbm4b:s10+s4], $0x80, $0x38;
	[tilespmem:$0x1D100] =	vst v63  }
0x2c: {  	_ =	swait.ge [sflag:s17], $0x80  }
0x2d: {  	[sflag:s17] =	ssyncset.done $0x0  }
0x2e: {  	[sflag:s17] =	ssyncadd.s32 $0xFFFFFF80  }
0x2f: {  	[tilespmem:s20], [sflag:$0x2] =	stream.linear.gather [hbm4b:s11+s4], $0x80, $0x38;
	[tilespmem:$0x1D100] =	vst v63  }
0x30: {  	_ =	swait.ge [sflag:s17], $0x80  }
0x31: {  	[sflag:s17] =	ssyncset.done $0x0  }
0x32: {  	[sflag:s17] =	ssyncadd.s32 $0xFFFFFF80  }
0x33: {  	s30 =	simm.s32 $0x0;
	[bflag:$0x0] =	sbarrier.arrive $0xFFFF  }
0x34: {  	[tilespmem:s22], [sflag:$0x1] =	stream.indirect.gather [hbm4b:s1+s21], $0x80, s30, s21, $0xb8;
	[tilespmem:$0x1D100] =	vst v63  }
0x35: {  	_ =	swait.ge [sflag:s23], $0x4000  }
0x36: {  	[sflag:s23] =	ssyncset.done $0x0  }
0x37: {  	s31 =	simm.s32 $0x2800;
	[sflag:s23] =	ssyncadd.s32 $0xFFFFC000  }
0x38: {  	[spmem:s3] =	stream.indirect.scatter.add.f32 [tilespmem:s22], [sflag:$0x2], $0x80, s31, s21, $0xb8;
	[tilespmem:$0x1D100] =	vst v63  }
0x39: {  	_ =	swait.ge [sflag:s17], $0x4000  }
0x3a: {  	s28 =	simm.s32 $0x400;
	s26 =	simm.s32 $0x200;
	[sflag:s17] =	ssyncset.done $0x0  }
.LBB2_2:
0x3b: {  	s29 =	sshra.s32 s26, $0x2  }
0x3c: {  	[sflag:s17] =	ssyncadd.s32 $0xFFFFC000;
	s26 =	smov.u32 s28;
	s30 =	sadd.s32 $0x200, s28  }
0x3d: {  	[tilespmem:s22], [sflag:$0x1] =	stream.indirect.gather [hbm4b:s1+s21], $0x80, s29, s21, $0xb8;
	[tilespmem:$0x1D100] =	vst v63  }
0x3e: {  	p1 =	sne.s32 s28, $0x9A00;
	_ =	swait.ge [sflag:s23], $0x4000  }
.Ltmp0:
0x3f: {  	[sflag:s23] =	ssyncset.done $0x0;
	(pc) =	sbr.rel @p1 .LBB2_2-.Ltmp0, $4  }
0x40: {  	s28 =	sadd.s32 $0x2800, s29;
	[sflag:s23] =	ssyncadd.s32 $0xFFFFC000  }
0x41: {  	[spmem:s3] =	stream.indirect.scatter.add.f32 [tilespmem:s22], [sflag:$0x2], $0x80, s28, s21, $0xb8;
	[tilespmem:$0x1D100] =	vst v63  }
0x42: {  	_ =	swait.ge [sflag:s17], $0x4000  }
0x43: {  	s28 =	smov.u32 s30;
	[sflag:s17] =	ssyncset.done $0x0  }
0x44: {  	s26 =	sshra.s32 s26, $0x2;
	[sflag:s17] =	ssyncadd.s32 $0xFFFFC000  }
0x45: {  	[tilespmem:s22], [sflag:$0x1] =	stream.indirect.gather [hbm4b:s1+s21], $0x80, s26, s21, $0xb8;
	[tilespmem:$0x1D100] =	vst v63  }
0x46: {  	_ =	swait.ge [sflag:s23], $0x4000  }
0x47: {  	[sflag:s23] =	ssyncset.done $0x0  }
0x48: {  	s26 =	sadd.s32 $0x2800, s26;
	[sflag:s23] =	ssyncadd.s32 $0xFFFFC000  }
0x49: {  	[spmem:s3] =	stream.indirect.scatter.add.f32 [tilespmem:s22], [sflag:$0x2], $0x80, s26, s21, $0xb8;
	[tilespmem:$0x1D100] =	vst v63  }
0x4a: {  	_ =	swait.ge [sflag:s17], $0x4000  }
0x4b: {  	[sflag:s17] =	ssyncset.done $0x0  }
0x4c: {  	[sflag:s17] =	ssyncadd.s32 $0xFFFFC000  }
0x4d: {  	[tilespmem:s22], [sflag:$0x1] =	stream.indirect.gather [hbm4b:s1+s24], $0x80, s19, s24, $0xb8;
	[tilespmem:$0x1D100] =	vst v63  }
0x4e: {  	_ =	swait.ge [sflag:s23], $0x800  }
0x4f: {  	[sflag:s23] =	ssyncset.done $0x0  }
0x50: {  	[sflag:s23] =	ssyncadd.s32 $0xFFFFF800  }
0x51: {  	[spmem:s3] =	stream.indirect.scatter.add.f32 [tilespmem:s22], [sflag:$0x2], $0x80, s20, s24, $0xb8;
	[tilespmem:$0x1D100] =	vst v63  }
0x52: {  	_ =	swait.ge [sflag:s17], $0x800  }
0x53: {  	s31 =	sshll.u32 s0, $0x6;
	s25 =	sadd.s32 $0x1, s25;
	[sflag:s17] =	ssyncset.done $0x0  }
0x54: {  	s28 =	sshrl.u32 s5, $0x3;
	p1 =	sne.s32 s25, s13;
	[sflag:s17] =	ssyncadd.s32 $0xFFFFF800  }
.Ltmp1:
0x55: {  	s26 =	sor.u32 $0x1C02, s31;
	[bflag:$0x0] =	sbarrier.arrive $0xFFFF;
	(pc) =	sbr.rel @p1 .LBB2_1-.Ltmp1, $4  }
0x56: {  	[hbm:s12], [sflag:s26] =	dma.local [spmem:s28], $0x2800  }
0x57: {  	_ =	swait.ge [sflag:s17], $0x2800  }
0x58: {  	[sflag:s17] =	ssyncset.done $0x0  }
0x59: {  	[sflag:s17] =	ssyncadd.s32 $0xFFFFD800  }
0x5a: {  	_ =	sfence.sel $0x180000  }
0x5b: {  	[bflag:$0x0] =	sbarrier.arrive $0xFFFF  }
0x5c: {  	p0 =	sne.s32 s0, $0x0;
	_ =	strace $0x90000047  }
0x5d: {  	s0 =	sadd.s32 @!p0 $0x100000, s2;
	[bflag:$0x2] =	sbarrier.arrive $0xFFFF  }
0x5e: {  	[sflag:s0] =	ssyncadd.tile.s32 @!p0 $0x1;
	_ =	shalt  }
.Lfunc_end2:
_tile_overlayer_lowered:
.L_overlay_start_2:
0x5f: {  	(tag) =	ssettag $0x2  }
0x60: {  	s0 =	rddreg [dreg:$0x0];
	s2 =	stileid.u32  }
0x61: {  	s1 =	rddreg [dreg:$0x1];
	p0 =	sne.s32 s2, $0x0  }
0x62: {  	s3 =	rddreg [dreg:$0x2];
	[bflag:$0x3] =	sbarrier.arrive $0xFFFF;
	s2 =	simm.s32 @!p0 $0x1C02  }
0x63: {  	[timem:s3], [sflag:s2] =	dma.local @!p0 [hbm:s0], s1  }
0x64: {  	s0 =	simm.s32 @!p0 $0x2  }
0x65: {  	_ =	swait.ge @!p0 [sflag:s0], s1  }
0x66: {  	s1 =	ssub.s32 @!p0 $0x0, s1;
	[sflag:s0] =	ssyncset.done @!p0 $0x0  }
0x67: {  	[sflag:s0] =	ssyncadd.s32 @!p0 s1  }
0x68: {  	[bflag:$0x3] =	sbarrier.arrive $0xFFFF  }
0x69: {  	_ =	shalt  }

</sc_bundles>
